<compile_context>
chip_gen: v7x
topology: tpu7x:2x2x1
jax: 0.10.2.dev20260603
libtpu: 0.0.44.dev20260713+nightly
codegen_flags: <defaults>
</compile_context>

<pallas_src>
import jax
import jax.numpy as jnp
from jax import lax
from jax.experimental import pallas as pl
from jax.experimental.pallas import tpu as pltpu
from jax.experimental.pallas import tpu_sc as plsc

GRID_H, GRID_W, EMBED_DIM = 32, 32, 768
D = EMBED_DIM // 3
N = GRID_H * GRID_W

NC, NS = 2, 16
NW = NC * NS
L = 16


def _sc_body(row_hbm, col_hbm, time_hbm, cls_hbm, out_hbm,
             row_v, col_v, time_v, cls_v, idx_v, lsem, ssem):
    wid = lax.axis_index("s") * NC + lax.axis_index("c")
    base = 1 + GRID_W * wid

    widv = jnp.full((L,), wid, jnp.int32)
    idx_v[pl.ds(0, L)] = widv
    idx_v[pl.ds(L, L)] = widv

    c_row = pltpu.async_copy(row_hbm.at[idx_v], row_v, lsem)
    c_col = pltpu.async_copy(col_hbm, col_v, lsem)
    c_time = pltpu.async_copy(time_hbm.at[pl.ds(GRID_W * wid, GRID_W)],
                              time_v, lsem)
    c_row.wait()
    c_col.wait()
    c_time.wait()

    s_row = pltpu.async_copy(
        row_v, out_hbm.at[pl.ds(base, GRID_W), 0, pl.ds(0, D)], ssem)
    s_col = pltpu.async_copy(
        col_v, out_hbm.at[pl.ds(base, GRID_W), 0, pl.ds(D, D)], ssem)
    s_time = pltpu.async_copy(
        time_v, out_hbm.at[pl.ds(base, GRID_W), 0, pl.ds(2 * D, D)], ssem)

    @pl.when(wid == 0)
    def _():
        pltpu.sync_copy(cls_hbm, cls_v)
        pltpu.sync_copy(cls_v, out_hbm.at[pl.ds(0, 1), 0])

    s_row.wait()
    s_col.wait()
    s_time.wait()


def kernel(x, row_embed, col_embed, time_embed, cls_token_pos):
    mesh = plsc.VectorSubcoreMesh(core_axis_name="c", subcore_axis_name="s")
    cls2d = cls_token_pos.reshape(1, EMBED_DIM)
    run = pl.kernel(
        _sc_body,
        mesh=mesh,
        out_type=jax.ShapeDtypeStruct((N + 1, 1, EMBED_DIM), jnp.float32),
        scratch_types=[
            pltpu.VMEM((GRID_W, D), jnp.float32),
            pltpu.VMEM((GRID_W, D), jnp.float32),
            pltpu.VMEM((GRID_W, D), jnp.float32),
            pltpu.VMEM((1, EMBED_DIM), jnp.float32),
            pltpu.VMEM((GRID_W,), jnp.int32),
            pltpu.SemaphoreType.DMA,
            pltpu.SemaphoreType.DMA,
        ],
        compiler_params=pltpu.CompilerParams(use_tc_tiling_on_sc=False),
    )
    out = run(row_embed, col_embed, time_embed, cls2d)
    return out.reshape(1, N + 1, EMBED_DIM)

# --- scband reference (transcript-rebuilt; emitter-appended) ---
"""Pipeline reference for scband-position-embedding2-dv2-32710470926485 (READ-ONLY COPY).

The authoritative reference and input builder live on the scoring server;
editing this copy changes nothing except your own understanding.
"""

import jax, jax.numpy as jnp
import numpy as np

GRID_H, GRID_W, EMBED_DIM = 32, 32, 768
D = EMBED_DIM // 3


def setup_inputs(seed: int = 0) -> dict:
    key = jax.random.key(seed)
    k1, k2, k3, k4, k5 = jax.random.split(key, 5)
    return {
        "x": jax.random.normal(k1, (4, GRID_H * GRID_W + 1, EMBED_DIM), dtype=jnp.float32),
        "row_embed": jax.random.normal(k2, (GRID_H, D), dtype=jnp.float32) * 0.02,
        "col_embed": jax.random.normal(k3, (GRID_W, D), dtype=jnp.float32) * 0.02,
        "time_embed": jax.random.normal(k4, (GRID_H * GRID_W, D), dtype=jnp.float32) * 0.02,
        "cls_token_pos": jax.random.normal(k5, (1, 1, EMBED_DIM), dtype=jnp.float32) * 0.02,
    }


def reference(x, row_embed, col_embed, time_embed, cls_token_pos):
    # _create_grid_embedding: fixed arange index lookups into the three tables
    row_idx = jnp.arange(GRID_H)
    col_idx = jnp.arange(GRID_W)
    time_idx = jnp.arange(GRID_H * GRID_W)
    row_emb = jnp.take(row_embed, row_idx, axis=0)          # (GRID_H, D)
    col_emb = jnp.take(col_embed, col_idx, axis=0)          # (GRID_W, D)
    time_emb = jnp.take(time_embed, time_idx, axis=0)       # (GRID_H*GRID_W, D)
    # expand to (GRID_H, GRID_W, D) grids
    row_grid = jnp.broadcast_to(row_emb[:, None, :], (GRID_H, GRID_W, D))
    col_grid = jnp.broadcast_to(col_emb[None, :, :], (GRID_H, GRID_W, D))
    time_grid = time_emb.reshape(GRID_H, GRID_W, D)
    pos_emb_2d = jnp.concatenate([row_grid, col_grid, time_grid], axis=-1)
    pos_emb_2d = pos_emb_2d.reshape(1, -1, EMBED_DIM)       # (1, 1024, 768)
    # prepend cls token position
    full_pos_emb = jnp.concatenate([cls_token_pos, pos_emb_2d], axis=1)  # (1, 1025, 768)
    return full_pos_emb

if __name__ == "__main__":
    import jax
    _d = setup_inputs()
    print(jax.jit(kernel)(*tuple(_d.values())))

</pallas_src>

<mosaic_0001>
#map = affine_map<(d0, d1) -> (0, 0)>
#map1 = affine_map<(d0, d1) -> (0, 0, 0)>
module attributes {stable_mosaic.version = 14 : i64} {
  func.func @_sc_body(%arg0: i32, %arg1: i32, %arg2: memref<32x256xf32, #tpu.memory_space<hbm>>, %arg3: memref<32x256xf32, #tpu.memory_space<hbm>>, %arg4: memref<1024x256xf32, #tpu.memory_space<hbm>>, %arg5: memref<1x768xf32, #tpu.memory_space<hbm>>, %arg6: memref<1025x1x768xf32, #tpu.memory_space<hbm>>, %arg7: memref<32x256xf32, #tpu.memory_space<vmem>>, %arg8: memref<32x256xf32, #tpu.memory_space<vmem>>, %arg9: memref<32x256xf32, #tpu.memory_space<vmem>>, %arg10: memref<1x768xf32, #tpu.memory_space<vmem>>, %arg11: memref<32xi32, #tpu.memory_space<vmem>>, %arg12: memref<!tpu.dma_semaphore, #tpu.memory_space<semaphore_mem>>, %arg13: memref<!tpu.dma_semaphore, #tpu.memory_space<semaphore_mem>>) attributes {dimension_semantics = [#tpu.dimension_semantics<core_parallel>, #tpu.dimension_semantics<subcore_parallel>], iteration_bounds = array<i64: 2, 16>, scalar_prefetch = 0 : i64, scratch_operands = 7 : i64, tpu.core_type = #tpu.core_type<sc_vector_subcore>, window_params = [{transform_indices = #map}, {transform_indices = #map}, {transform_indices = #map}, {transform_indices = #map}, {transform_indices = #map1}]} {
    %mul3A = arith.constant 2 : i32
    %mul3A_0 = arith.muli %arg1, %mul3A : i32
    %add3A = arith.addi %mul3A_0, %arg0 : i32
    %mul3A_1 = arith.constant 32 : i32
    %mul3A_2 = arith.muli %mul3A_1, %add3A : i32
    %add3A_3 = arith.constant 1 : i32
    %add3A_4 = arith.addi %add3A_3, %mul3A_2 : i32
    %broadcast_in_dim3A = vector.broadcast %add3A : i32 to vector<16xi32>
    %swap3A = arith.constant 0 : index
    %swap3A_5 = tpu.vector_load %arg11[%swap3A] {strides = array<i32>} : memref<32xi32, #tpu.memory_space<vmem>>, vector<16xi32>,
    %swap3A_6 = vector.shape_cast %swap3A_5 : vector<16xi32> to vector<16xi32>
    %swap3A_7 = vector.shape_cast %broadcast_in_dim3A : vector<16xi32> to vector<16xi32>
    tpu.vector_store %arg11[%swap3A], %swap3A_7 {strides = array<i32>} : memref<32xi32, #tpu.memory_space<vmem>>, vector<16xi32>,
    %swap3A_8 = arith.constant 16 : index
    %swap3A_9 = tpu.vector_load %arg11[%swap3A_8] {strides = array<i32>} : memref<32xi32, #tpu.memory_space<vmem>>, vector<16xi32>,
    %swap3A_10 = vector.shape_cast %swap3A_9 : vector<16xi32> to vector<16xi32>
    %swap3A_11 = vector.shape_cast %broadcast_in_dim3A : vector<16xi32> to vector<16xi32>
    tpu.vector_store %arg11[%swap3A_8], %swap3A_11 {strides = array<i32>} : memref<32xi32, #tpu.memory_space<vmem>>, vector<16xi32>,
    %dma_start3A = arith.constant 0 : i32
    %dma_start3A_12 = arith.constant 0 : i32
    %dma_start3A_13 = tpu.memref_slice %arg2[%dma_start3A, %dma_start3A_12] : memref<32x256xf32, #tpu.memory_space<hbm>> -> memref<32x256xf32, #tpu.memory_space<hbm>>
    tpu.enqueue_indirect_dma source(%dma_start3A_13 : memref<32x256xf32, #tpu.memory_space<hbm>>) target(%arg7 : memref<32x256xf32, #tpu.memory_space<vmem>>) offsets(%arg11 : memref<32xi32, #tpu.memory_space<vmem>>) semaphore(%arg12 : memref<!tpu.dma_semaphore, #tpu.memory_space<semaphore_mem>>)
    tpu.enqueue_dma source(%arg3 : memref<32x256xf32, #tpu.memory_space<hbm>>) target(%arg8 : memref<32x256xf32, #tpu.memory_space<vmem>>) target_semaphore(%arg12 : memref<!tpu.dma_semaphore, #tpu.memory_space<semaphore_mem>>)
    %mul3A_14 = arith.constant 32 : i32
    %mul3A_15 = arith.muli %mul3A_14, %add3A : i32
    %dma_start3A_16 = arith.constant 0 : i32
    %dma_start3A_17 = tpu.memref_slice %arg4[%mul3A_15, %dma_start3A_16] : memref<1024x256xf32, #tpu.memory_space<hbm>> -> memref<32x256xf32, #tpu.memory_space<hbm>>
    %dma_start3A_18 = arith.constant 0 : i32
    %dma_start3A_19 = tpu.memref_slice %arg4[%mul3A_15, %dma_start3A_18] : memref<1024x256xf32, #tpu.memory_space<hbm>> -> memref<32x256xf32, #tpu.memory_space<hbm>>
    tpu.enqueue_dma source(%dma_start3A_19 : memref<32x256xf32, #tpu.memory_space<hbm>>) target(%arg9 : memref<32x256xf32, #tpu.memory_space<vmem>>) target_semaphore(%arg12 : memref<!tpu.dma_semaphore, #tpu.memory_space<semaphore_mem>>)
    %dma_wait3A = arith.constant 0 : i32
    %dma_wait3A_20 = arith.constant 0 : i32
    %dma_wait3A_21 = tpu.memref_slice %arg2[%dma_wait3A, %dma_wait3A_20] : memref<32x256xf32, #tpu.memory_space<hbm>> -> memref<32x256xf32, #tpu.memory_space<hbm>>
    tpu.wait_indirect_dma semaphore(%arg12 : memref<!tpu.dma_semaphore, #tpu.memory_space<semaphore_mem>>) src(%dma_wait3A_21 : memref<32x256xf32, #tpu.memory_space<hbm>>) dst(%arg7 : memref<32x256xf32, #tpu.memory_space<vmem>>)
    tpu.wait_dma2 semaphore(%arg12 : memref<!tpu.dma_semaphore, #tpu.memory_space<semaphore_mem>>) src(%arg3 : memref<32x256xf32, #tpu.memory_space<hbm>>) dst(%arg8 : memref<32x256xf32, #tpu.memory_space<vmem>>)
    %dma_wait3A_22 = arith.constant 0 : i32
    %dma_wait3A_23 = tpu.memref_slice %arg4[%mul3A_15, %dma_wait3A_22] : memref<1024x256xf32, #tpu.memory_space<hbm>> -> memref<32x256xf32, #tpu.memory_space<hbm>>
    %dma_wait3A_24 = arith.constant 0 : i32
    %dma_wait3A_25 = tpu.memref_slice %arg4[%mul3A_15, %dma_wait3A_24] : memref<1024x256xf32, #tpu.memory_space<hbm>> -> memref<32x256xf32, #tpu.memory_space<hbm>>
    tpu.wait_dma2 semaphore(%arg12 : memref<!tpu.dma_semaphore, #tpu.memory_space<semaphore_mem>>) src(%dma_wait3A_25 : memref<32x256xf32, #tpu.memory_space<hbm>>) dst(%arg9 : memref<32x256xf32, #tpu.memory_space<vmem>>)
    %dma_start3A_26 = arith.constant 0 : i32
    %dma_start3A_27 = arith.constant 0 : i32
    %dma_start3A_28 = tpu.memref_slice %arg6[%add3A_4, %dma_start3A_26, %dma_start3A_27] : memref<1025x1x768xf32, #tpu.memory_space<hbm>> -> memref<32x1x256xf32, #tpu.memory_space<hbm>>
    %dma_start3A_29 = tpu.memref_squeeze %dma_start3A_28 : memref<32x1x256xf32, #tpu.memory_space<hbm>> -> memref<32x256xf32, #tpu.memory_space<hbm>>
    %dma_start3A_30 = arith.constant 0 : i32
    %dma_start3A_31 = tpu.memref_slice %arg6[%add3A_4, %dma_start3A_26, %dma_start3A_30] : memref<1025x1x768xf32, #tpu.memory_space<hbm>> -> memref<32x1x256xf32, #tpu.memory_space<hbm>>
    %dma_start3A_32 = tpu.memref_squeeze %dma_start3A_31 : memref<32x1x256xf32, #tpu.memory_space<hbm>> -> memref<32x256xf32, #tpu.memory_space<hbm>>
    tpu.enqueue_dma source(%arg7 : memref<32x256xf32, #tpu.memory_space<vmem>>) target(%dma_start3A_32 : memref<32x256xf32, #tpu.memory_space<hbm>>) target_semaphore(%arg13 : memref<!tpu.dma_semaphore, #tpu.memory_space<semaphore_mem>>)
    %dma_start3A_33 = arith.constant 0 : i32
    %dma_start3A_34 = arith.constant 256 : i32
    %dma_start3A_35 = tpu.memref_slice %arg6[%add3A_4, %dma_start3A_33, %dma_start3A_34] : memref<1025x1x768xf32, #tpu.memory_space<hbm>> -> memref<32x1x256xf32, #tpu.memory_space<hbm>>
    %dma_start3A_36 = tpu.memref_squeeze %dma_start3A_35 : memref<32x1x256xf32, #tpu.memory_space<hbm>> -> memref<32x256xf32, #tpu.memory_space<hbm>>
    %dma_start3A_37 = arith.constant 256 : i32
    %dma_start3A_38 = tpu.memref_slice %arg6[%add3A_4, %dma_start3A_33, %dma_start3A_37] : memref<1025x1x768xf32, #tpu.memory_space<hbm>> -> memref<32x1x256xf32, #tpu.memory_space<hbm>>
    %dma_start3A_39 = tpu.memref_squeeze %dma_start3A_38 : memref<32x1x256xf32, #tpu.memory_space<hbm>> -> memref<32x256xf32, #tpu.memory_space<hbm>>
    tpu.enqueue_dma source(%arg8 : memref<32x256xf32, #tpu.memory_space<vmem>>) target(%dma_start3A_39 : memref<32x256xf32, #tpu.memory_space<hbm>>) target_semaphore(%arg13 : memref<!tpu.dma_semaphore, #tpu.memory_space<semaphore_mem>>)
    %dma_start3A_40 = arith.constant 0 : i32
    %dma_start3A_41 = arith.constant 512 : i32
    %dma_start3A_42 = tpu.memref_slice %arg6[%add3A_4, %dma_start3A_40, %dma_start3A_41] : memref<1025x1x768xf32, #tpu.memory_space<hbm>> -> memref<32x1x256xf32, #tpu.memory_space<hbm>>
    %dma_start3A_43 = tpu.memref_squeeze %dma_start3A_42 : memref<32x1x256xf32, #tpu.memory_space<hbm>> -> memref<32x256xf32, #tpu.memory_space<hbm>>
    %dma_start3A_44 = arith.constant 512 : i32
    %dma_start3A_45 = tpu.memref_slice %arg6[%add3A_4, %dma_start3A_40, %dma_start3A_44] : memref<1025x1x768xf32, #tpu.memory_space<hbm>> -> memref<32x1x256xf32, #tpu.memory_space<hbm>>
    %dma_start3A_46 = tpu.memref_squeeze %dma_start3A_45 : memref<32x1x256xf32, #tpu.memory_space<hbm>> -> memref<32x256xf32, #tpu.memory_space<hbm>>
    tpu.enqueue_dma source(%arg9 : memref<32x256xf32, #tpu.memory_space<vmem>>) target(%dma_start3A_46 : memref<32x256xf32, #tpu.memory_space<hbm>>) target_semaphore(%arg13 : memref<!tpu.dma_semaphore, #tpu.memory_space<semaphore_mem>>)
    %eq3A = arith.constant 0 : i32
    %eq3A_47 = arith.cmpi eq, %add3A, %eq3A : i32
    %convert_element_type3A = arith.extui %eq3A_47 : i1 to i32
    %cond3A = arith.constant 0 : i32
    %cond3A_48 = arith.cmpi ne, %convert_element_type3A, %cond3A : i32
    scf.if %cond3A_48 {
      "tpu.region"() ({
        %run_scoped3A_70 = tpu.sem_alloc : memref<!tpu.dma_semaphore, #tpu.memory_space<semaphore_mem>>
        tpu.enqueue_dma source(%arg5 : memref<1x768xf32, #tpu.memory_space<hbm>>) target(%arg10 : memref<1x768xf32, #tpu.memory_space<vmem>>) target_semaphore(%run_scoped3A_70 : memref<!tpu.dma_semaphore, #tpu.memory_space<semaphore_mem>>)
        tpu.wait_dma2 semaphore(%run_scoped3A_70 : memref<!tpu.dma_semaphore, #tpu.memory_space<semaphore_mem>>) src(%arg5 : memref<1x768xf32, #tpu.memory_space<hbm>>) dst(%arg10 : memref<1x768xf32, #tpu.memory_space<vmem>>)
        tpu.yield
      }) : () -> ()
      %run_scoped3A = arith.constant 0 : i32
      "tpu.region"() ({
        %run_scoped3A_70 = tpu.sem_alloc : memref<!tpu.dma_semaphore, #tpu.memory_space<semaphore_mem>>
        %dma_start3A_71 = arith.constant 0 : i32
        %dma_start3A_72 = arith.constant 0 : i32
        %dma_start3A_73 = tpu.memref_slice %arg6[%dma_start3A_71, %run_scoped3A, %dma_start3A_72] : memref<1025x1x768xf32, #tpu.memory_space<hbm>> -> memref<1x1x768xf32, #tpu.memory_space<hbm>>
        %dma_start3A_74 = tpu.memref_squeeze %dma_start3A_73 : memref<1x1x768xf32, #tpu.memory_space<hbm>> -> memref<1x768xf32, #tpu.memory_space<hbm>>
        %dma_start3A_75 = arith.constant 0 : i32
        %dma_start3A_76 = arith.constant 0 : i32
        %dma_start3A_77 = tpu.memref_slice %arg6[%dma_start3A_75, %run_scoped3A, %dma_start3A_76] : memref<1025x1x768xf32, #tpu.memory_space<hbm>> -> memref<1x1x768xf32, #tpu.memory_space<hbm>>
        %dma_start3A_78 = tpu.memref_squeeze %dma_start3A_77 : memref<1x1x768xf32, #tpu.memory_space<hbm>> -> memref<1x768xf32, #tpu.memory_space<hbm>>
        tpu.enqueue_dma source(%arg10 : memref<1x768xf32, #tpu.memory_space<vmem>>) target(%dma_start3A_78 : memref<1x768xf32, #tpu.memory_space<hbm>>) target_semaphore(%run_scoped3A_70 : memref<!tpu.dma_semaphore, #tpu.memory_space<semaphore_mem>>)
        %dma_wait3A_79 = arith.constant 0 : i32
        %dma_wait3A_80 = arith.constant 0 : i32
        %dma_wait3A_81 = tpu.memref_slice %arg6[%dma_wait3A_79, %run_scoped3A, %dma_wait3A_80] : memref<1025x1x768xf32, #tpu.memory_space<hbm>> -> memref<1x1x768xf32, #tpu.memory_space<hbm>>
        %dma_wait3A_82 = tpu.memref_squeeze %dma_wait3A_81 : memref<1x1x768xf32, #tpu.memory_space<hbm>> -> memref<1x768xf32, #tpu.memory_space<hbm>>
        %dma_wait3A_83 = arith.constant 0 : i32
        %dma_wait3A_84 = arith.constant 0 : i32
        %dma_wait3A_85 = tpu.memref_slice %arg6[%dma_wait3A_83, %run_scoped3A, %dma_wait3A_84] : memref<1025x1x768xf32, #tpu.memory_space<hbm>> -> memref<1x1x768xf32, #tpu.memory_space<hbm>>
        %dma_wait3A_86 = tpu.memref_squeeze %dma_wait3A_85 : memref<1x1x768xf32, #tpu.memory_space<hbm>> -> memref<1x768xf32, #tpu.memory_space<hbm>>
        tpu.wait_dma2 semaphore(%run_scoped3A_70 : memref<!tpu.dma_semaphore, #tpu.memory_space<semaphore_mem>>) src(%arg10 : memref<1x768xf32, #tpu.memory_space<vmem>>) dst(%dma_wait3A_86 : memref<1x768xf32, #tpu.memory_space<hbm>>)
        tpu.yield
      }) : () -> ()
    } else {
    }
    %dma_wait3A_49 = arith.constant 0 : i32
    %dma_wait3A_50 = arith.constant 0 : i32
    %dma_wait3A_51 = tpu.memref_slice %arg6[%add3A_4, %dma_wait3A_49, %dma_wait3A_50] : memref<1025x1x768xf32, #tpu.memory_space<hbm>> -> memref<32x1x256xf32, #tpu.memory_space<hbm>>
    %dma_wait3A_52 = tpu.memref_squeeze %dma_wait3A_51 : memref<32x1x256xf32, #tpu.memory_space<hbm>> -> memref<32x256xf32, #tpu.memory_space<hbm>>
    %dma_wait3A_53 = arith.constant 0 : i32
    %dma_wait3A_54 = tpu.memref_slice %arg6[%add3A_4, %dma_wait3A_49, %dma_wait3A_53] : memref<1025x1x768xf32, #tpu.memory_space<hbm>> -> memref<32x1x256xf32, #tpu.memory_space<hbm>>
    %dma_wait3A_55 = tpu.memref_squeeze %dma_wait3A_54 : memref<32x1x256xf32, #tpu.memory_space<hbm>> -> memref<32x256xf32, #tpu.memory_space<hbm>>
    tpu.wait_dma2 semaphore(%arg13 : memref<!tpu.dma_semaphore, #tpu.memory_space<semaphore_mem>>) src(%arg7 : memref<32x256xf32, #tpu.memory_space<vmem>>) dst(%dma_wait3A_55 : memref<32x256xf32, #tpu.memory_space<hbm>>)
    %dma_wait3A_56 = arith.constant 0 : i32
    %dma_wait3A_57 = arith.constant 256 : i32
    %dma_wait3A_58 = tpu.memref_slice %arg6[%add3A_4, %dma_wait3A_56, %dma_wait3A_57] : memref<1025x1x768xf32, #tpu.memory_space<hbm>> -> memref<32x1x256xf32, #tpu.memory_space<hbm>>
    %dma_wait3A_59 = tpu.memref_squeeze %dma_wait3A_58 : memref<32x1x256xf32, #tpu.memory_space<hbm>> -> memref<32x256xf32, #tpu.memory_space<hbm>>
    %dma_wait3A_60 = arith.constant 256 : i32
    %dma_wait3A_61 = tpu.memref_slice %arg6[%add3A_4, %dma_wait3A_56, %dma_wait3A_60] : memref<1025x1x768xf32, #tpu.memory_space<hbm>> -> memref<32x1x256xf32, #tpu.memory_space<hbm>>
    %dma_wait3A_62 = tpu.memref_squeeze %dma_wait3A_61 : memref<32x1x256xf32, #tpu.memory_space<hbm>> -> memref<32x256xf32, #tpu.memory_space<hbm>>
    tpu.wait_dma2 semaphore(%arg13 : memref<!tpu.dma_semaphore, #tpu.memory_space<semaphore_mem>>) src(%arg8 : memref<32x256xf32, #tpu.memory_space<vmem>>) dst(%dma_wait3A_62 : memref<32x256xf32, #tpu.memory_space<hbm>>)
    %dma_wait3A_63 = arith.constant 0 : i32
    %dma_wait3A_64 = arith.constant 512 : i32
    %dma_wait3A_65 = tpu.memref_slice %arg6[%add3A_4, %dma_wait3A_63, %dma_wait3A_64] : memref<1025x1x768xf32, #tpu.memory_space<hbm>> -> memref<32x1x256xf32, #tpu.memory_space<hbm>>
    %dma_wait3A_66 = tpu.memref_squeeze %dma_wait3A_65 : memref<32x1x256xf32, #tpu.memory_space<hbm>> -> memref<32x256xf32, #tpu.memory_space<hbm>>
    %dma_wait3A_67 = arith.constant 512 : i32
    %dma_wait3A_68 = tpu.memref_slice %arg6[%add3A_4, %dma_wait3A_63, %dma_wait3A_67] : memref<1025x1x768xf32, #tpu.memory_space<hbm>> -> memref<32x1x256xf32, #tpu.memory_space<hbm>>
    %dma_wait3A_69 = tpu.memref_squeeze %dma_wait3A_68 : memref<32x1x256xf32, #tpu.memory_space<hbm>> -> memref<32x256xf32, #tpu.memory_space<hbm>>
    tpu.wait_dma2 semaphore(%arg13 : memref<!tpu.dma_semaphore, #tpu.memory_space<semaphore_mem>>) src(%arg9 : memref<32x256xf32, #tpu.memory_space<vmem>>) dst(%dma_wait3A_69 : memref<32x256xf32, #tpu.memory_space<hbm>>)
    return
  }
}

</mosaic_0001>

<sc_bundles>
// kernel: kernel.3.cloned.1.call-start
scs
__scs_entry_jumppad:
0x0: {  	(pc) =	sbr.rel $0x88, $3  }
0x1: {  	(tag) =	ssettag $0x0;
	lr =	simm.s32 $0x1  }
0x2: {  	[smem:$0x3F9D] =	sst lr;
	_ =	strace $0xD0000000  }
0x3: {  	_ = 	snop  }
0x4: {  	_ = 	snop  }
0x5: {  	_ = 	snop  }
0x6: {  	_ = 	snop  }
0x7: {  	_ = 	snop  }
__scs_overlays_trampoline_lowered:
0x8: {  	[smem:$0x3FAC] =	sst s0  }
0x9: {  	[smem:$0x3FAD] =	sst s1  }
0xa: {  	[smem:$0x3FAE] =	sst s2  }
0xb: {  	[smem:$0x3FAF] =	sst s3  }
0xc: {  	[smem:$0x3FB0] =	sst s4  }
0xd: {  	[smem:$0x3FB1] =	sst s5  }
0xe: {  	[smem:$0x3FB2] =	sst s6  }
0xf: {  	[smem:$0x3FB3] =	sst s7  }
0x10: {  	[smem:$0x3FB4] =	sst s8  }
0x11: {  	[smem:$0x3FB5] =	sst s9;
	s0 =	simm.s32 @!p0 $0x0  }
0x12: {  	s1 =	sld [smem:$0x3F9B];
	s0 =	simm.s32 @p0 $0x1  }
0x13: {  	[smem:$0x3FB6] =	sst s0;
	s0 =	simm.s32 @!p1 $0x0  }
0x14: {  	s2 =	sld [smem:$0x3F9A];
	s0 =	simm.s32 @p1 $0x1  }
0x15: {  	[smem:$0x3FB7] =	sst s0;
	s0 =	simm.s32 @!p2 $0x0  }
0x16: {  	s3 =	sld [smem:$0x3FDB];
	s0 =	simm.s32 @p2 $0x1  }
0x17: {  	s4 =	simm.s32 $0x1BF5;
	[smem:$0x3FB9] =	sst s0  }
0x18: {  	s0 =	sld [smem:$0x3F9C];
	_ =	swait.ge [sflag:s4], $0x0  }
0x19: {  	s7 =	sld [smem:$0x3F9D]  }
0x1a: {  	s8 =	sadd.s32 $0xFFFFE003, lr  }
0x1b: {  	s9 =	sadd.s32 $0xFFFFFEF7, lr;
	s5 =	simm.s32 $0xFFFFFFFF;
	p2 =	slt.u32 s8, $0xFFFFF086  }
0x1c: {  	p1 =	slt.u32 s9, $0xF7A;
	s5 =	simm.s32 @!p2 $0x0  }
0x1d: {  	s5 =	simm.s32 @p1 $0x1;
	p0 =	seq.s32 s7, s2  }
0x1e: {  	s7 =	smul.u32 @!p0 $0xF7A, s2;
	p2 =	seq.s32 @!p0 s5, $0x0  }
0x1f: {  	s9 =	smul.u32 $0xF7A, s1;
	s8 =	simm.s32 @!p0 $0x1BF5;
	p2 =	por !p2, p0  }
0x20: {  	[sflag:s8] =	ssyncset.s32 @!p0 $0xFFFFF086;
	s6 =	sadd.s32 @!p0 s3, s7;
	s7 =	simm.s32 @!p0 $0x108  }
0x21: {  	s3 =	sadd.s32 s3, s9;
	s6 =	sadd.s32 @!p0 $0x88, s6;
	s7 =	simm.s32 @p2 $0x1082  }
0x22: {  	[simem:s7], [sflag:s8] =	dma.local @!p0 [hbm:s6], $0xF7A  }
0x23: {  	s9 =	sor.u32 $0xD0000000, s2;
	s6 =	simm.s32 $0x108;
	_ =	swait.ge @!p0 [sflag:s8], $0x0  }
0x24: {  	s3 =	sadd.s32 $0x88, s3;
	s6 =	simm.s32 @!p1 $0x1082;
	[sflag:s4] =	ssyncset.s32 $0xFFFFF086  }
0x25: {  	[simem:s6], [sflag:s4] =	dma.local [hbm:s3], $0xF7A  }
0x26: {  	[smem:$0x3F9D] =	sst s1;
	(tag) =	ssettag s2;
	_ =	strace s9  }
0x27: {  	s1 =	sld [smem:$0x3FAD]  }
0x28: {  	s2 =	sld [smem:$0x3FAE]  }
0x29: {  	s4 =	sld [smem:$0x3FB0]  }
0x2a: {  	p0 =	seq.s32 s5, $0x0;
	s5 =	sld [smem:$0x3FB1]  }
0x2b: {  	s6 =	sld [smem:$0x3FB2]  }
0x2c: {  	s7 =	sld [smem:$0x3FB3]  }
0x2d: {  	s3 =	simm.s32 $0x108;
	s8 =	sld [smem:$0x3FB4]  }
0x2e: {  	s3 =	simm.s32 @!p0 $0x1082;
	s9 =	sld [smem:$0x3FB5]  }
0x2f: {  	lr =	sadd.s32 s0, s3;
	s0 =	sld [smem:$0x3FAC]  }
0x30: {  	s3 =	sld [smem:$0x3FAF]  }
0x31: {  	[smem:$0x3FB8] =	sst s10  }
0x32: {  	s10 =	sld [smem:$0x3FB6];
	_ =	sdelay $0x3  }
0x33: {  	p0 =	seq.s32 s10, $0x1;
	s10 =	sld [smem:$0x3FB8];
	_ =	sdelay $0x3  }
0x34: {  	[smem:$0x3FB8] =	sst s10  }
0x35: {  	s10 =	sld [smem:$0x3FB7];
	_ =	sdelay $0x3  }
0x36: {  	p1 =	seq.s32 s10, $0x1;
	s10 =	sld [smem:$0x3FB8];
	_ =	sdelay $0x3  }
0x37: {  	[smem:$0x3FB8] =	sst s10  }
0x38: {  	s10 =	sld [smem:$0x3FB9]  }
0x39: {  	_ = 	snop;
	(pc) =	sbr.ind lr, $3  }
0x3a: {  	_ = 	snop  }
0x3b: {  	_ = 	snop  }
0x3c: {  	p2 =	seq.s32 s10, $0x1;
	s10 =	sld [smem:$0x3FB8]  }
0x3d: {  	_ =	shalt  }
0x3e: {  	_ =	shalt  }
0x3f: {  	_ =	shalt  }
0x40: {  	_ =	shalt  }
0x41: {  	_ =	shalt  }
0x42: {  	_ =	shalt  }
0x43: {  	_ =	shalt  }
0x44: {  	_ =	shalt  }
0x45: {  	_ =	shalt  }
0x46: {  	_ =	shalt  }
0x47: {  	_ =	shalt  }
0x48: {  	_ =	shalt  }
0x49: {  	_ =	shalt  }
0x4a: {  	_ =	shalt  }
0x4b: {  	_ =	shalt  }
0x4c: {  	_ =	shalt  }
0x4d: {  	_ =	shalt  }
0x4e: {  	_ =	shalt  }
0x4f: {  	_ =	shalt  }
0x50: {  	_ =	shalt  }
0x51: {  	_ =	shalt  }
0x52: {  	_ =	shalt  }
0x53: {  	_ =	shalt  }
0x54: {  	_ =	shalt  }
0x55: {  	_ =	shalt  }
0x56: {  	_ =	shalt  }
0x57: {  	_ =	shalt  }
0x58: {  	_ =	shalt  }
0x59: {  	_ =	shalt  }
0x5a: {  	_ =	shalt  }
0x5b: {  	_ =	shalt  }
0x5c: {  	_ =	shalt  }
0x5d: {  	_ =	shalt  }
0x5e: {  	_ =	shalt  }
0x5f: {  	_ =	shalt  }
0x60: {  	_ =	shalt  }
0x61: {  	_ =	shalt  }
0x62: {  	_ =	shalt  }
0x63: {  	_ =	shalt  }
0x64: {  	_ =	shalt  }
0x65: {  	_ =	shalt  }
0x66: {  	_ =	shalt  }
0x67: {  	_ =	shalt  }
0x68: {  	_ =	shalt  }
0x69: {  	_ =	shalt  }
0x6a: {  	_ =	shalt  }
0x6b: {  	_ =	shalt  }
0x6c: {  	_ =	shalt  }
0x6d: {  	_ =	shalt  }
0x6e: {  	_ =	shalt  }
0x6f: {  	_ =	shalt  }
0x70: {  	_ =	shalt  }
0x71: {  	_ =	shalt  }
0x72: {  	_ =	shalt  }
0x73: {  	_ =	shalt  }
0x74: {  	_ =	shalt  }
0x75: {  	_ =	shalt  }
0x76: {  	_ =	shalt  }
0x77: {  	_ =	shalt  }
0x78: {  	_ =	shalt  }
0x79: {  	_ =	shalt  }
0x7a: {  	_ =	shalt  }
0x7b: {  	_ =	shalt  }
0x7c: {  	_ =	shalt  }
0x7d: {  	_ =	shalt  }
0x7e: {  	_ =	shalt  }
0x7f: {  	_ =	shalt  }
0x80: {  	_ =	shalt  }
0x81: {  	_ =	shalt  }
0x82: {  	_ =	shalt  }
0x83: {  	_ =	shalt  }
0x84: {  	_ =	shalt  }
0x85: {  	_ =	shalt  }
0x86: {  	_ =	shalt  }
0x87: {  	_ =	shalt  }
.Lfunc_end0:
.L_simem_size_0:
called_computation_lowered:
.L_overlay_start_0:
0x88: {  	s2 =	sld [smem:$0x3FD9]  }
0x89: {  	s3 =	sld [smem:$0x3FFE];
	_ =	sdelay $0x1  }
0x8a: {  	s1 =	srdreg.scid  }
0x8b: {  	s0 =	sand.u32 $0x1, s1  }
0x8c: {  	s17 =	sshll.u32 s0, $0xA;
	s2 =	sadd.s32 s3, s2  }
0x8d: {  	s2 =	sadd.s32 s2, s17  }
0x8e: {  	[smem:$0x3FC4] =	sst s2  }
0x8f: {  	_ = 	snop  }
0x90: {  	s2 =	sld [smem:$0x3FD0];
	(tm) =	ssettm $0x1  }
0x91: {  	s18 =	sld [smem:$0x3FFB];
	_ =	sdelay $0x3  }
0x92: {  	_ =	strace s18  }
0x93: {  	s3 =	sld [smem:$0x3FFC];
	_ =	sdelay $0x3  }
0x94: {  	_ =	strace s3  }
0x95: {  	s3 =	sld [smem:$0x3FFD];
	_ =	sdelay $0x3  }
0x96: {  	_ =	strace s3  }
0x97: {  	_ =	strace $0x8FFFFFFF  }
0x98: {  	s19 =	sld [smem:$0x3FDB];
	_ =	sdelay $0x1  }
0x99: {  	s4 =	simm.s32 $_scs_section_size  }
0x9a: {  	s5 =	simm.s32 $_size__tile_overlayer_lowered;
	s6 =	simm.s32 $_tile_overlayer_lowered  }
0x9b: {  	s22 =	simm.s32 $0x1BFF;
	s21 =	sshll.u32 s6, $0x1;
	s3 =	sadd.s32 s4, s19  }
0x9c: {  	s7 =	simm.s32 $0x0;
	s20 =	sshll.u32 s5, $0x1;
	s5 =	sadd.s32 s21, s3  }
0x9d: {  	[timem:s7], [sflag:s22] =	dma.local [hbm:s5], s20  }
0x9e: {  	_ =	swait.ge [sflag:s22], s20  }
0x9f: {  	s4 =	ssub.s32 $0x0, s20;
	[sflag:s22] =	ssyncset.done $0x0  }
0xa0: {  	[sflag:s22] =	ssyncadd.s32 s4;
	_ =	sdelay $0x1  }
0xa1: {  	s23 =	simm.s32 $0x1B8B  }
0xa2: {  	_ =	swait.ge [sflag:s23], $0x1  }
0xa3: {  	[sflag:s23] =	ssyncset.done $0x0  }
0xa4: {  	s25 =	simm.s32 $0x1B8E;
	s24 =	sld [smem:$0x3FFE];
	[sflag:s23] =	ssyncadd.s32 $0xFFFFFFFF  }
0xa5: {  	s26 =	simm.s32 $execute0_lowered;
	[smem:$0x3FD2] =	sst s25  }
0xa6: {  	s5 =	sshll.u32 s26, $0x1;
	_ =	strace $0x80000046;
	[dreg:$0x1] =	wrdreg $0xFFFFFFFF  }
0xa7: {  	s28 =	simm.s32 $_size_execute0_lowered;
	s3 =	sadd.s32 s3, s5;
	[dreg:$0x0] =	wrdreg $0x0  }
0xa8: {  	s5 =	sshll.u32 s28, $0x1;
	[dreg:$0x2] =	wrdreg s3  }
0xa9: {  	[dreg:$0x3] =	wrdreg s5  }
0xaa: {  	[dreg:$0x4] =	wrdreg $0xC0  }
0xab: {  	_ =	task [dreg:s7], $0x5FFFF  }
0xac: {  	[dreg:$0x1] =	wrdreg $0xFFFFFFFF  }
0xad: {  	[dreg:$0x0] =	wrdreg $0x60  }
0xae: {  	[dreg:$0x2] =	wrdreg s24  }
0xaf: {  	[dreg:$0x3] =	wrdreg s2  }
0xb0: {  	[dreg:$0x4] =	wrdreg $0x9  }
0xb1: {  	_ =	task.clear_ibuf [dreg:s7], $0x5FFFF;
	_ =	strace $0x90000046  }
0xb2: {  	s29 =	simm.s32 $0x9;
	_ =	strace $0x80000048  }
0xb3: {  	_ =	swait.ge [sflag:s29], $0x1  }
0xb4: {  	[sflag:s29] =	ssyncadd.s32 $0xFFFFFFFF  }
0xb5: {  	_ =	strace $0x90000048  }
0xb6: {  	_ =	sfence  }
0xb7: {  	s30 =	sld [smem:$0x0];
	_ =	sdelay $0x2  }
0xb8: {  	s31 =	sshll.u32 s1, $0xD;
	s1 =	sshrl.u32 s1, $0x2  }
0xb9: {  	s3 =	sand.u32 $0x4000, s31;
	s1 =	sadd.s32 s1, s30  }
0xba: {  	s0 =	sor.u32 s3, s0;
	s1 =	sshll.u32 s1, $0x11  }
0xbb: {  	s0 =	sor.u32 s1, s0  }
0xbc: {  	s0 =	sadd.s32 $0x8F2B, s0  }
0xbd: {  	[sflag:s0] =	ssyncadd.remote.s32 $0x1  }
0xbe: {  	_ =	sfence.sel $0xFFFF  }
0xbf: {  	[dreg:$0x0] =	wrdreg $0xFFFFFFFF;
	(pc) =	sbr.abs _section_cstart, $3  }
0xc0: {  	[dreg:$0x1] =	wrdreg $0xFFFFFFFF  }
0xc1: {  	_ =	task.clear_ibuf [dreg:s7], $0x2FFFF;
	_ =	strace $0x9FFFFFFF  }
0xc2: {  	(tm) =	ssettm $0x7FFFFFFF  }
0xc3: {  	_ =	shalt  }
tec
execute0_lowered:
.L_overlay_start_1:
0x0: {  	(tag) =	ssettag $0x1  }
0x1: {  	s3 =	srdreg.scid;
	s1 =	stileid.u32  }
0x2: {  	s16 =	rddreg [dreg:$0x0];
	s22 =	sand.u32 $0x1, s3;
	s31 =	sshll.u32 s1, $0x1  }
0x3: {  	s8 =	rddreg [dreg:$0x1];
	s2 =	simm.s32 $0x0;
	s18 =	sor.u32 s22, s31  }
0x4: {  	[smem:$0x7FF] =	sst s2;
	v0 =	vmov s18  }
0x5: {  	s0 =	rddreg [dreg:$0x2];
	_ =	strace $0x80000047;
	[tilespmem:$0x6300] =	vst v0  }
0x6: {  	s4 =	simm.s32 $0x20;
	s5 =	simm.s32 $0x6300;
	s3 =	sadd.s32 $0x400, s16;
	[tilespmem:$0x6310] =	vst v0  }
0x7: {  	[tilespmem:s2], [sflag:$0x1] =	stream.indirect.gather [hbm4b:s3+s4], $0x100, s5, s4, $0xb8;
	[tilespmem:$0x6320] =	vst v63  }
0x8: {  	s7 =	simm.s32 $0x2000;
	s6 =	sadd.s32 $0x800, s16;
	s9 =	sshll.u32 s18, $0xA  }
0x9: {  	[tilespmem:s7], [sflag:$0x1] =	stream.linear.gather [hbm4b:s6+s2], $0x2000, $0x38;
	[tilespmem:$0x6320] =	vst v63  }
0xa: {  	s10 =	simm.s32 $0x1;
	s8 =	sadd.s32 s8, s9;
	s9 =	simm.s32 $0x4000  }
0xb: {  	[tilespmem:s9], [sflag:$0x1] =	stream.linear.gather [hbm4b:s8+s2], $0x2000, $0x38;
	[tilespmem:$0x6320] =	vst v63  }
0xc: {  	_ =	swait.ge [sflag:s10], $0x2000  }
0xd: {  	[sflag:s10] =	ssyncset.done $0x0  }
0xe: {  	[sflag:s10] =	ssyncadd.s32 $0xFFFFE000  }
0xf: {  	_ =	swait.ge [sflag:s10], $0x2000  }
0x10: {  	[sflag:s10] =	ssyncset.done $0x0  }
0x11: {  	s12 =	smul.u32 $0xC00, s18;
	[sflag:s10] =	ssyncadd.s32 $0xFFFFE000  }
0x12: {  	s11 =	sadd.s32 $0xC00, s16;
	_ =	swait.ge [sflag:s10], $0x2000  }
0x13: {  	s13 =	simm.s32 $0x100;
	s17 =	sadd.s32 s12, s11;
	[sflag:s10] =	ssyncset.done $0x0  }
0x14: {  	s14 =	simm.s32 $0x300;
	s12 =	sadd.s32 $0x60, s17;
	[sflag:s10] =	ssyncadd.s32 $0xFFFFE000  }
0x15: {  	[hbm4b:s12+s13] =	stream.strided.scatter [tilespmem:s2], [sflag:$0x2], $0x2000, s14, s13, $0x38;
	[tilespmem:$0x6320] =	vst v63  }
0x16: {  	s15 =	sadd.s32 $0x80, s17  }
0x17: {  	[hbm4b:s15+s13] =	stream.strided.scatter [tilespmem:s7], [sflag:$0x2], $0x2000, s14, s13, $0x38;
	[tilespmem:$0x6320] =	vst v63  }
0x18: {  	s16 =	sadd.s32 $0x200, s16;
	p0 =	sne.s32 s18, $0x0;
	s17 =	sadd.s32 $0xA0, s17  }
0x19: {  	[hbm4b:s17+s13] =	stream.strided.scatter [tilespmem:s9], [sflag:$0x2], $0x2000, s14, s13, $0x38;
	[tilespmem:$0x6320] =	vst v63  }
0x1a: {  	s18 =	simm.s32 @!p0 $0x0;
	s19 =	simm.s32 @!p0 $0x6000;
	s20 =	simm.s32 @!p0 $0x3  }
0x1b: {  	[tilespmem:s19], [sflag:$0x3] =	stream.linear.gather @!p0 [hbm4b:s16+s18], $0x300, $0x38;
	[tilespmem:$0x6320] =	vst v63  }
0x1c: {  	_ =	swait.ge @!p0 [sflag:s20], $0x300  }
0x1d: {  	[sflag:s20] =	ssyncset.done @!p0 $0x0  }
0x1e: {  	[sflag:s20] =	ssyncadd.s32 @!p0 $0xFFFFFD00  }
0x1f: {  	[hbm4b:s11+s18] =	stream.linear.scatter @!p0 [tilespmem:s19], [sflag:$0x3], $0x300, $0x38;
	[tilespmem:$0x6320] =	vst v63  }
0x20: {  	s22 =	ssub.s32 $0x2, s22;
	_ =	swait.ge @!p0 [sflag:s20], $0x300  }
0x21: {  	s23 =	sshrl.u32 s22, $0x1;
	[sflag:s20] =	ssyncset.done @!p0 $0x0  }
0x22: {  	s21 =	simm.s32 $0x2;
	s22 =	ssub.s32 s22, s23;
	[sflag:s20] =	ssyncadd.s32 @!p0 $0xFFFFFD00  }
0x23: {  	s22 =	smax.u32 s22, $0x1;
	_ =	swait.ge [sflag:s21], $0x2000  }
0x24: {  	s22 =	sadd.s32 $0xFFFFFFFF, s22;
	[sflag:s21] =	ssyncset.done $0x0  }
0x25: {  	p1 =	sne.s32 s22, $0x0;
	[sflag:s21] =	ssyncadd.s32 $0xFFFFE000  }
.Ltmp0:
0x26: {  	_ =	swait.ge [sflag:s21], $0x2000;
	(pc) =	sbr.rel @!p1 .LBB2_2-.Ltmp0, $4  }
0x27: {  	[sflag:s21] =	ssyncset.done $0x0  }
0x28: {  	[sflag:s21] =	ssyncadd.s32 $0xFFFFE000  }
0x29: {  	_ =	swait.ge [sflag:s21], $0x2000  }
0x2a: {  	[sflag:s21] =	ssyncset.done $0x0  }
.LBB2_1:
0x2b: {  	s22 =	sadd.s32 $0xFFFFFFFF, s22;
	[sflag:s21] =	ssyncadd.s32 $0xFFFFE000  }
0x2c: {  	[tilespmem:$0x6300] =	vst v0;
	p1 =	sne.s32 s22, $0x0  }
0x2d: {  	[tilespmem:$0x6310] =	vst v0  }
0x2e: {  	[tilespmem:s2], [sflag:$0x1] =	stream.indirect.gather [hbm4b:s3+s4], $0x100, s5, s4, $0xb8;
	[tilespmem:$0x6320] =	vst v63  }
0x2f: {  	_ = 	snop  }
0x30: {  	[tilespmem:s7], [sflag:$0x1] =	stream.linear.gather [hbm4b:s6+s2], $0x2000, $0x38;
	[tilespmem:$0x6320] =	vst v63  }
0x31: {  	_ = 	snop  }
0x32: {  	[tilespmem:s9], [sflag:$0x1] =	stream.linear.gather [hbm4b:s8+s2], $0x2000, $0x38;
	[tilespmem:$0x6320] =	vst v63  }
0x33: {  	_ =	swait.ge [sflag:s10], $0x2000  }
0x34: {  	[sflag:s10] =	ssyncset.done $0x0  }
0x35: {  	[sflag:s10] =	ssyncadd.s32 $0xFFFFE000  }
0x36: {  	_ =	swait.ge [sflag:s10], $0x2000  }
0x37: {  	[sflag:s10] =	ssyncset.done $0x0  }
0x38: {  	[sflag:s10] =	ssyncadd.s32 $0xFFFFE000  }
0x39: {  	_ =	swait.ge [sflag:s10], $0x2000  }
0x3a: {  	[sflag:s10] =	ssyncset.done $0x0  }
0x3b: {  	[sflag:s10] =	ssyncadd.s32 $0xFFFFE000  }
0x3c: {  	[hbm4b:s12+s13] =	stream.strided.scatter [tilespmem:s2], [sflag:$0x2], $0x2000, s14, s13, $0x38;
	[tilespmem:$0x6320] =	vst v63  }
0x3d: {  	_ = 	snop  }
0x3e: {  	[hbm4b:s15+s13] =	stream.strided.scatter [tilespmem:s7], [sflag:$0x2], $0x2000, s14, s13, $0x38;
	[tilespmem:$0x6320] =	vst v63  }
0x3f: {  	_ = 	snop  }
0x40: {  	[hbm4b:s17+s13] =	stream.strided.scatter [tilespmem:s9], [sflag:$0x2], $0x2000, s14, s13, $0x38;
	[tilespmem:$0x6320] =	vst v63  }
0x41: {  	_ = 	snop  }
0x42: {  	[tilespmem:s19], [sflag:$0x3] =	stream.linear.gather @!p0 [hbm4b:s16+s18], $0x300, $0x38;
	[tilespmem:$0x6320] =	vst v63  }
0x43: {  	_ =	swait.ge @!p0 [sflag:s20], $0x300  }
0x44: {  	[sflag:s20] =	ssyncset.done @!p0 $0x0  }
0x45: {  	[sflag:s20] =	ssyncadd.s32 @!p0 $0xFFFFFD00  }
0x46: {  	[hbm4b:s11+s18] =	stream.linear.scatter @!p0 [tilespmem:s19], [sflag:$0x3], $0x300, $0x38;
	[tilespmem:$0x6320] =	vst v63  }
0x47: {  	_ =	swait.ge @!p0 [sflag:s20], $0x300  }
0x48: {  	[sflag:s20] =	ssyncset.done @!p0 $0x0  }
0x49: {  	[sflag:s20] =	ssyncadd.s32 @!p0 $0xFFFFFD00  }
0x4a: {  	_ =	swait.ge [sflag:s21], $0x2000  }
0x4b: {  	[sflag:s21] =	ssyncset.done $0x0  }
0x4c: {  	[sflag:s21] =	ssyncadd.s32 $0xFFFFE000  }
.Ltmp1:
0x4d: {  	_ =	swait.ge [sflag:s21], $0x2000;
	(pc) =	sbr.rel @p1 .LBB2_1-.Ltmp1, $4  }
0x4e: {  	[sflag:s21] =	ssyncset.done $0x0  }
0x4f: {  	[sflag:s21] =	ssyncadd.s32 $0xFFFFE000  }
0x50: {  	_ =	swait.ge [sflag:s21], $0x2000  }
0x51: {  	[sflag:s21] =	ssyncset.done $0x0  }
.LBB2_2:
0x52: {  	[sflag:s21] =	ssyncadd.s32 $0xFFFFE000  }
0x53: {  	_ =	sfence.sel $0x180000  }
0x54: {  	[bflag:$0x0] =	sbarrier.arrive $0xFFFF  }
0x55: {  	p0 =	sne.s32 s1, $0x0;
	_ =	strace $0x90000047  }
0x56: {  	s0 =	sadd.s32 @!p0 $0x100000, s0;
	[bflag:$0x2] =	sbarrier.arrive $0xFFFF  }
0x57: {  	[sflag:s0] =	ssyncadd.tile.s32 @!p0 $0x1;
	_ =	shalt  }
.Lfunc_end2:
_tile_overlayer_lowered:
.L_overlay_start_2:
0x58: {  	(tag) =	ssettag $0x2  }
0x59: {  	s0 =	rddreg [dreg:$0x0];
	s2 =	stileid.u32  }
0x5a: {  	s1 =	rddreg [dreg:$0x1];
	p0 =	sne.s32 s2, $0x0  }
0x5b: {  	s3 =	rddreg [dreg:$0x2];
	[bflag:$0x3] =	sbarrier.arrive $0xFFFF;
	s2 =	simm.s32 @!p0 $0x1C03  }
0x5c: {  	[timem:s3], [sflag:s2] =	dma.local @!p0 [hbm:s0], s1  }
0x5d: {  	s0 =	simm.s32 @!p0 $0x3  }
0x5e: {  	_ =	swait.ge @!p0 [sflag:s0], s1  }
0x5f: {  	s1 =	ssub.s32 @!p0 $0x0, s1;
	[sflag:s0] =	ssyncset.done @!p0 $0x0  }
0x60: {  	[sflag:s0] =	ssyncadd.s32 @!p0 s1  }
0x61: {  	[bflag:$0x3] =	sbarrier.arrive $0xFFFF  }
0x62: {  	_ =	shalt  }

</sc_bundles>
